<compile_context>
chip_gen: v7x
topology: tpu7x:2x2x1
jax: 0.10.2.dev20260603
libtpu: 0.0.44.dev20260713+nightly
codegen_flags: <defaults>
</compile_context>

<pallas_src>
import functools

import jax
import jax.numpy as jnp
from jax.experimental import pallas as pl
from jax.experimental.pallas import tpu as pltpu


def _round_up(a, b):
    return (a + b - 1) // b * b


def _body(wb_ref, xa_ref, xm_ref, xb_ref, o_ref, *, T, W, H, OWB, PW):
    i = pl.program_id(0)
    above2 = jnp.where(i > 0, xa_ref[:, 6:8, :], 0.0)
    main = jnp.where(i * T < H, xm_ref[...], 0.0)
    below1 = jnp.where((i + 1) * T < H, xb_ref[:, 0:1, :], 0.0)
    gx = jnp.concatenate([above2[0], main[0], below1[0]], axis=0)
    gy = jnp.concatenate([above2[1], main[1], below1[1]], axis=0)
    gx = jnp.pad(gx, ((0, 0), (2, PW - 2 - W)))
    gy = jnp.pad(gy, ((0, 0), (2, PW - 2 - W)))
    gxb = gx.astype(jnp.bfloat16).astype(jnp.float32)
    gyb = gy.astype(jnp.bfloat16).astype(jnp.float32)

    def proj(c):
        return gxb * wb_ref[c, 0] + gyb * wb_ref[c, 1]

    ax = proj(8)
    ay = proj(9)
    mag = jnp.sqrt(ax * ax + ay * ay)
    best = proj(0)
    idx = jnp.zeros(best.shape, dtype=jnp.int32)
    for c in range(1, 8):
        cc = proj(c)
        better = cc > best
        best = jnp.where(better, cc, best)
        idx = jnp.where(better, c, idx)
    for c in range(8):
        hc = jnp.where(idx == c, mag, 0.0)
        rs = hc[0:T, :] + hc[1:T + 1, :] + hc[2:T + 2, :] + hc[3:T + 3, :]
        o_ref[c] = (rs[:, 0:OWB] + rs[:, 1:OWB + 1]
                    + rs[:, 2:OWB + 2] + rs[:, 3:OWB + 3])


def _siftnet(x, w_orient, T):
    _, _, H, W = x.shape
    OH, OW = H + 1, W + 1
    OWB = _round_up(OW, 128)
    PW = OWB + 128
    G = _round_up(OH, T) // T
    HB8 = H // 8
    xr = x.reshape(2, H, W)
    wb = jax.lax.optimization_barrier(
        w_orient.reshape(10, 2).astype(jnp.bfloat16)).astype(jnp.float32)

    out = pl.pallas_call(
        functools.partial(_body, T=T, W=W, H=H, OWB=OWB, PW=PW),
        grid=(G,),
        in_specs=[
            pl.BlockSpec(memory_space=pltpu.SMEM),
            pl.BlockSpec((2, 8, W),
                         lambda i: (0, jnp.maximum(i * (T // 8) - 1, 0), 0)),
            pl.BlockSpec((2, T, W),
                         lambda i: (0, jnp.minimum(i, H // T - 1), 0)),
            pl.BlockSpec((2, 8, W),
                         lambda i: (0, jnp.minimum((i + 1) * (T // 8), HB8 - 1), 0)),
        ],
        out_specs=pl.BlockSpec((8, T, OWB), lambda i: (0, i, 0)),
        out_shape=jax.ShapeDtypeStruct((8, OH, OW), jnp.float32),
    )(wb, xr, xr, xr)
    return out[None]


def kernel(x, w_orient, w_acc):
    del w_acc
    return _siftnet(x, w_orient, T=128)

# --- scband reference (transcript-rebuilt; emitter-appended) ---
"""Pipeline reference for scband-siftnet-91087666413577 (READ-ONLY COPY).

The authoritative reference and input builder live on the scoring server;
editing this copy changes nothing except your own understanding.
"""

import jax, jax.numpy as jnp
import numpy as np
from jax import lax


def make_orientation_weights():
    angles = jnp.array([(2.0 * i + 1.0) * np.pi / 8.0 for i in range(8)], dtype=jnp.float64)
    vecs = jnp.stack([jnp.cos(angles), jnp.sin(angles)], axis=1)  # (8,2)
    grads = jnp.array([[1.0, 0.0], [0.0, 1.0]], dtype=jnp.float64)
    W = jnp.concatenate([vecs, grads], axis=0).astype(jnp.float32)  # (10,2)
    return W.reshape(10, 2, 1, 1)


def setup_inputs(seed: int = 0) -> dict:
    key = jax.random.key(seed)
    x = jax.random.normal(key, (1, 2, 2048, 2048), dtype=jnp.float32)
    w_orient = make_orientation_weights()          # (10,2,1,1) 1x1 conv weights
    w_acc = jnp.ones((8, 1, 4, 4), dtype=jnp.float32)  # grouped 4x4 accumulation conv
    return {"x": x, "w_orient": w_orient, "w_acc": w_acc}


def reference(x, w_orient, w_acc):
    dn = ("NCHW", "OIHW", "NCHW")
    # SIFTOrientationLayer: 1x1 conv, no bias -> (1,10,M,N)
    out = lax.conv_general_dilated(x, w_orient, window_strides=(1, 1),
                                   padding="VALID", dimension_numbers=dn)
    # HistogramLayer
    cosines = out[:, :8, :, :]
    im_grads = out[:, 8:, :, :]
    orientation = jnp.argmax(cosines, axis=1)              # (1,M,N)
    occupancy_mask = jax.nn.one_hot(orientation, 8, axis=1, dtype=cosines.dtype)  # (1,8,M,N)
    magnitude = jnp.sqrt(jnp.square(im_grads[:, 0, :, :]) + jnp.square(im_grads[:, 1, :, :]))
    magnitude = magnitude[:, None, :, :]                   # broadcast over 8 channels
    per_px_histogram = occupancy_mask * magnitude          # (1,8,M,N)
    # SubGridAccumulationLayer: grouped 4x4 conv, padding=2, ones weights -> (1,8,M+1,N+1)
    acc = lax.conv_general_dilated(per_px_histogram, w_acc, window_strides=(1, 1),
                                   padding=((2, 2), (2, 2)),
                                   feature_group_count=8, dimension_numbers=dn)
    return acc

if __name__ == "__main__":
    import jax
    _d = setup_inputs()
    print(jax.jit(kernel)(*tuple(_d.values())))

</pallas_src>

<mosaic_0001>
module attributes {stable_mosaic.version = 14 : i64} {
  func.func @_body(%arg0: i32, %arg1: memref<10x2xf32, #tpu.memory_space<smem>>, %arg2: memref<2x8x2048xf32, #tpu.memory_space<vmem>>, %arg3: memref<2x128x2048xf32, #tpu.memory_space<vmem>>, %arg4: memref<2x8x2048xf32, #tpu.memory_space<vmem>>, %arg5: memref<8x128x2176xf32, #tpu.memory_space<vmem>>) attributes {dimension_semantics = [#tpu.dimension_semantics<arbitrary>], iteration_bounds = array<i64: 17>, scalar_prefetch = 0 : i64, scratch_operands = 0 : i64, tpu.core_type = #tpu.core_type<tc>, window_params = [{transform_indices = @transform_0, window_bounds = array<i64: 10, 2>}, {transform_indices = @transform_1, window_bounds = array<i64: 2, 8, 2048>}, {transform_indices = @transform_2, window_bounds = array<i64: 2, 128, 2048>}, {transform_indices = @transform_3, window_bounds = array<i64: 2, 8, 2048>}, {transform_indices = @transform_4, window_bounds = array<i64: 8, 128, 2176>}]} {
    %gt3A = arith.constant 0 : i32
    %gt3A_0 = arith.cmpi sgt, %arg0, %gt3A : i32
    %get3A = arith.constant 0 : index
    %get3A_1 = arith.constant 6 : index
    %get3A_2 = arith.constant 0 : index
    %get3A_3 = vector.load %arg2[%get3A, %get3A_1, %get3A_2] : memref<2x8x2048xf32, #tpu.memory_space<vmem>>, vector<2x2x2048xf32>
    %jit3A = arith.constant 0.000000e+00 : f32
    %broadcast_in_dim3A = vector.broadcast %jit3A : f32 to vector<2x2x2048xf32>
    %select_n3A = arith.select %gt3A_0, %get3A_3, %broadcast_in_dim3A : vector<2x2x2048xf32>
    %mul3A = arith.constant 128 : i32
    %mul3A_4 = arith.muli %arg0, %mul3A : i32
    %lt3A = arith.constant 2048 : i32
    %lt3A_5 = arith.cmpi slt, %mul3A_4, %lt3A : i32
    %get3A_6 = arith.constant 0 : index
    %get3A_7 = arith.constant 0 : index
    %get3A_8 = arith.constant 0 : index
    %get3A_9 = vector.load %arg3[%get3A_6, %get3A_7, %get3A_8] : memref<2x128x2048xf32, #tpu.memory_space<vmem>>, vector<2x128x2048xf32>
    %jit3A_10 = arith.constant 0.000000e+00 : f32
    %broadcast_in_dim3A_11 = vector.broadcast %jit3A_10 : f32 to vector<2x128x2048xf32>
    %select_n3A_12 = arith.select %lt3A_5, %get3A_9, %broadcast_in_dim3A_11 : vector<2x128x2048xf32>
    %add3A = arith.constant 1 : i32
    %add3A_13 = arith.addi %arg0, %add3A : i32
    %mul3A_14 = arith.constant 128 : i32
    %mul3A_15 = arith.muli %add3A_13, %mul3A_14 : i32
    %lt3A_16 = arith.constant 2048 : i32
    %lt3A_17 = arith.cmpi slt, %mul3A_15, %lt3A_16 : i32
    %get3A_18 = arith.constant 0 : index
    %get3A_19 = arith.constant 0 : index
    %get3A_20 = arith.constant 0 : index
    %get3A_21 = vector.load %arg4[%get3A_18, %get3A_19, %get3A_20] : memref<2x8x2048xf32, #tpu.memory_space<vmem>>, vector<2x1x2048xf32>
    %jit3A_22 = arith.constant 0.000000e+00 : f32
    %broadcast_in_dim3A_23 = vector.broadcast %jit3A_22 : f32 to vector<2x1x2048xf32>
    %select_n3A_24 = arith.select %lt3A_17, %get3A_21, %broadcast_in_dim3A_23 : vector<2x1x2048xf32>
    %slice3A = vector.extract_strided_slice %select_n3A {offsets = [0, 0, 0], sizes = [1, 2, 2048], strides = [1, 1, 1]} : vector<2x2x2048xf32> to vector<1x2x2048xf32>
    %squeeze3A = vector.shape_cast %slice3A : vector<1x2x2048xf32> to vector<2x2048xf32>
    %slice3A_25 = vector.extract_strided_slice %select_n3A_12 {offsets = [0, 0, 0], sizes = [1, 128, 2048], strides = [1, 1, 1]} : vector<2x128x2048xf32> to vector<1x128x2048xf32>
    %squeeze3A_26 = vector.shape_cast %slice3A_25 : vector<1x128x2048xf32> to vector<128x2048xf32>
    %slice3A_27 = vector.extract_strided_slice %select_n3A_24 {offsets = [0, 0, 0], sizes = [1, 1, 2048], strides = [1, 1, 1]} : vector<2x1x2048xf32> to vector<1x1x2048xf32>
    %squeeze3A_28 = vector.shape_cast %slice3A_27 : vector<1x1x2048xf32> to vector<1x2048xf32>
    %concatenate3A = tpu.concatenate %squeeze3A, %squeeze3A_26, %squeeze3A_28 in 0 : vector<2x2048xf32>, vector<128x2048xf32>, vector<1x2048xf32> -> vector<131x2048xf32>
    %slice3A_29 = vector.extract_strided_slice %select_n3A {offsets = [1, 0, 0], sizes = [1, 2, 2048], strides = [1, 1, 1]} : vector<2x2x2048xf32> to vector<1x2x2048xf32>
    %squeeze3A_30 = vector.shape_cast %slice3A_29 : vector<1x2x2048xf32> to vector<2x2048xf32>
    %slice3A_31 = vector.extract_strided_slice %select_n3A_12 {offsets = [1, 0, 0], sizes = [1, 128, 2048], strides = [1, 1, 1]} : vector<2x128x2048xf32> to vector<1x128x2048xf32>
    %squeeze3A_32 = vector.shape_cast %slice3A_31 : vector<1x128x2048xf32> to vector<128x2048xf32>
    %slice3A_33 = vector.extract_strided_slice %select_n3A_24 {offsets = [1, 0, 0], sizes = [1, 1, 2048], strides = [1, 1, 1]} : vector<2x1x2048xf32> to vector<1x1x2048xf32>
    %squeeze3A_34 = vector.shape_cast %slice3A_33 : vector<1x1x2048xf32> to vector<1x2048xf32>
    %concatenate3A_35 = tpu.concatenate %squeeze3A_30, %squeeze3A_32, %squeeze3A_34 in 0 : vector<2x2048xf32>, vector<128x2048xf32>, vector<1x2048xf32> -> vector<131x2048xf32>
    %jit3A_36 = arith.constant 0 : i32
    %convert_element_type3A = arith.sitofp %jit3A_36 : i32 to f32
    %pad3A = vector.broadcast %convert_element_type3A : f32 to vector<131x2xf32>
    %pad3A_37 = tpu.concatenate %pad3A, %concatenate3A in 1 : vector<131x2xf32>, vector<131x2048xf32> -> vector<131x2050xf32>
    %pad3A_38 = vector.broadcast %convert_element_type3A : f32 to vector<131x254xf32>
    %pad3A_39 = tpu.concatenate %pad3A_37, %pad3A_38 in 1 : vector<131x2050xf32>, vector<131x254xf32> -> vector<131x2304xf32>
    %jit3A_40 = arith.constant 0 : i32
    %convert_element_type3A_41 = arith.sitofp %jit3A_40 : i32 to f32
    %pad3A_42 = vector.broadcast %convert_element_type3A_41 : f32 to vector<131x2xf32>
    %pad3A_43 = tpu.concatenate %pad3A_42, %concatenate3A_35 in 1 : vector<131x2xf32>, vector<131x2048xf32> -> vector<131x2050xf32>
    %pad3A_44 = vector.broadcast %convert_element_type3A_41 : f32 to vector<131x254xf32>
    %pad3A_45 = tpu.concatenate %pad3A_43, %pad3A_44 in 1 : vector<131x2050xf32>, vector<131x254xf32> -> vector<131x2304xf32>
    %convert_element_type3A_46 = arith.truncf %pad3A_39 : vector<131x2304xf32> to vector<131x2304xbf16>
    %convert_element_type3A_47 = arith.extf %convert_element_type3A_46 : vector<131x2304xbf16> to vector<131x2304xf32>
    %convert_element_type3A_48 = arith.truncf %pad3A_45 : vector<131x2304xf32> to vector<131x2304xbf16>
    %convert_element_type3A_49 = arith.extf %convert_element_type3A_48 : vector<131x2304xbf16> to vector<131x2304xf32>
    %get3A_50 = arith.constant 8 : index
    %get3A_51 = arith.constant 0 : index
    %get3A_52 = memref.load %arg1[%get3A_50, %get3A_51] : memref<10x2xf32, #tpu.memory_space<smem>>
    %mul3A_53 = vector.broadcast %get3A_52 : f32 to vector<131x2304xf32>
    %mul3A_54 = arith.mulf %convert_element_type3A_47, %mul3A_53 : vector<131x2304xf32>
    %get3A_55 = arith.constant 8 : index
    %get3A_56 = arith.constant 1 : index
    %get3A_57 = memref.load %arg1[%get3A_55, %get3A_56] : memref<10x2xf32, #tpu.memory_space<smem>>
    %mul3A_58 = vector.broadcast %get3A_57 : f32 to vector<131x2304xf32>
    %mul3A_59 = arith.mulf %convert_element_type3A_49, %mul3A_58 : vector<131x2304xf32>
    %add3A_60 = arith.addf %mul3A_54, %mul3A_59 : vector<131x2304xf32>
    %get3A_61 = arith.constant 9 : index
    %get3A_62 = arith.constant 0 : index
    %get3A_63 = memref.load %arg1[%get3A_61, %get3A_62] : memref<10x2xf32, #tpu.memory_space<smem>>
    %mul3A_64 = vector.broadcast %get3A_63 : f32 to vector<131x2304xf32>
    %mul3A_65 = arith.mulf %convert_element_type3A_47, %mul3A_64 : vector<131x2304xf32>
    %get3A_66 = arith.constant 9 : index
    %get3A_67 = arith.constant 1 : index
    %get3A_68 = memref.load %arg1[%get3A_66, %get3A_67] : memref<10x2xf32, #tpu.memory_space<smem>>
    %mul3A_69 = vector.broadcast %get3A_68 : f32 to vector<131x2304xf32>
    %mul3A_70 = arith.mulf %convert_element_type3A_49, %mul3A_69 : vector<131x2304xf32>
    %add3A_71 = arith.addf %mul3A_65, %mul3A_70 : vector<131x2304xf32>
    %mul3A_72 = arith.mulf %add3A_60, %add3A_60 : vector<131x2304xf32>
    %mul3A_73 = arith.mulf %add3A_71, %add3A_71 : vector<131x2304xf32>
    %add3A_74 = arith.addf %mul3A_72, %mul3A_73 : vector<131x2304xf32>
    %sqrt3A = math.sqrt %add3A_74 : vector<131x2304xf32>
    %get3A_75 = arith.constant 0 : index
    %get3A_76 = arith.constant 0 : index
    %get3A_77 = memref.load %arg1[%get3A_75, %get3A_76] : memref<10x2xf32, #tpu.memory_space<smem>>
    %mul3A_78 = vector.broadcast %get3A_77 : f32 to vector<131x2304xf32>
    %mul3A_79 = arith.mulf %convert_element_type3A_47, %mul3A_78 : vector<131x2304xf32>
    %get3A_80 = arith.constant 0 : index
    %get3A_81 = arith.constant 1 : index
    %get3A_82 = memref.load %arg1[%get3A_80, %get3A_81] : memref<10x2xf32, #tpu.memory_space<smem>>
    %mul3A_83 = vector.broadcast %get3A_82 : f32 to vector<131x2304xf32>
    %mul3A_84 = arith.mulf %convert_element_type3A_49, %mul3A_83 : vector<131x2304xf32>
    %add3A_85 = arith.addf %mul3A_79, %mul3A_84 : vector<131x2304xf32>
    %broadcast_in_dim3A_86 = arith.constant 0 : i32
    %broadcast_in_dim3A_87 = vector.broadcast %broadcast_in_dim3A_86 : i32 to vector<131x2304xi32>
    %get3A_88 = arith.constant 1 : index
    %get3A_89 = arith.constant 0 : index
    %get3A_90 = memref.load %arg1[%get3A_88, %get3A_89] : memref<10x2xf32, #tpu.memory_space<smem>>
    %mul3A_91 = vector.broadcast %get3A_90 : f32 to vector<131x2304xf32>
    %mul3A_92 = arith.mulf %convert_element_type3A_47, %mul3A_91 : vector<131x2304xf32>
    %get3A_93 = arith.constant 1 : index
    %get3A_94 = arith.constant 1 : index
    %get3A_95 = memref.load %arg1[%get3A_93, %get3A_94] : memref<10x2xf32, #tpu.memory_space<smem>>
    %mul3A_96 = vector.broadcast %get3A_95 : f32 to vector<131x2304xf32>
    %mul3A_97 = arith.mulf %convert_element_type3A_49, %mul3A_96 : vector<131x2304xf32>
    %add3A_98 = arith.addf %mul3A_92, %mul3A_97 : vector<131x2304xf32>
    %gt3A_99 = arith.cmpf ogt, %add3A_98, %add3A_85 : vector<131x2304xf32>
    %select_n3A_100 = arith.select %gt3A_99, %add3A_98, %add3A_85 : vector<131x2304xi1>, vector<131x2304xf32>
    %jit3A_101 = arith.constant 1 : i32
    %broadcast_in_dim3A_102 = vector.broadcast %jit3A_101 : i32 to vector<131x2304xi32>
    %select_n3A_103 = arith.select %gt3A_99, %broadcast_in_dim3A_102, %broadcast_in_dim3A_87 : vector<131x2304xi1>, vector<131x2304xi32>
    %get3A_104 = arith.constant 2 : index
    %get3A_105 = arith.constant 0 : index
    %get3A_106 = memref.load %arg1[%get3A_104, %get3A_105] : memref<10x2xf32, #tpu.memory_space<smem>>
    %mul3A_107 = vector.broadcast %get3A_106 : f32 to vector<131x2304xf32>
    %mul3A_108 = arith.mulf %convert_element_type3A_47, %mul3A_107 : vector<131x2304xf32>
    %get3A_109 = arith.constant 2 : index
    %get3A_110 = arith.constant 1 : index
    %get3A_111 = memref.load %arg1[%get3A_109, %get3A_110] : memref<10x2xf32, #tpu.memory_space<smem>>
    %mul3A_112 = vector.broadcast %get3A_111 : f32 to vector<131x2304xf32>
    %mul3A_113 = arith.mulf %convert_element_type3A_49, %mul3A_112 : vector<131x2304xf32>
    %add3A_114 = arith.addf %mul3A_108, %mul3A_113 : vector<131x2304xf32>
    %gt3A_115 = arith.cmpf ogt, %add3A_114, %select_n3A_100 : vector<131x2304xf32>
    %select_n3A_116 = arith.select %gt3A_115, %add3A_114, %select_n3A_100 : vector<131x2304xi1>, vector<131x2304xf32>
    %jit3A_117 = arith.constant 2 : i32
    %broadcast_in_dim3A_118 = vector.broadcast %jit3A_117 : i32 to vector<131x2304xi32>
    %select_n3A_119 = arith.select %gt3A_115, %broadcast_in_dim3A_118, %select_n3A_103 : vector<131x2304xi1>, vector<131x2304xi32>
    %get3A_120 = arith.constant 3 : index
    %get3A_121 = arith.constant 0 : index
    %get3A_122 = memref.load %arg1[%get3A_120, %get3A_121] : memref<10x2xf32, #tpu.memory_space<smem>>
    %mul3A_123 = vector.broadcast %get3A_122 : f32 to vector<131x2304xf32>
    %mul3A_124 = arith.mulf %convert_element_type3A_47, %mul3A_123 : vector<131x2304xf32>
    %get3A_125 = arith.constant 3 : index
    %get3A_126 = arith.constant 1 : index
    %get3A_127 = memref.load %arg1[%get3A_125, %get3A_126] : memref<10x2xf32, #tpu.memory_space<smem>>
    %mul3A_128 = vector.broadcast %get3A_127 : f32 to vector<131x2304xf32>
    %mul3A_129 = arith.mulf %convert_element_type3A_49, %mul3A_128 : vector<131x2304xf32>
    %add3A_130 = arith.addf %mul3A_124, %mul3A_129 : vector<131x2304xf32>
    %gt3A_131 = arith.cmpf ogt, %add3A_130, %select_n3A_116 : vector<131x2304xf32>
    %select_n3A_132 = arith.select %gt3A_131, %add3A_130, %select_n3A_116 : vector<131x2304xi1>, vector<131x2304xf32>
    %jit3A_133 = arith.constant 3 : i32
    %broadcast_in_dim3A_134 = vector.broadcast %jit3A_133 : i32 to vector<131x2304xi32>
    %select_n3A_135 = arith.select %gt3A_131, %broadcast_in_dim3A_134, %select_n3A_119 : vector<131x2304xi1>, vector<131x2304xi32>
    %get3A_136 = arith.constant 4 : index
    %get3A_137 = arith.constant 0 : index
    %get3A_138 = memref.load %arg1[%get3A_136, %get3A_137] : memref<10x2xf32, #tpu.memory_space<smem>>
    %mul3A_139 = vector.broadcast %get3A_138 : f32 to vector<131x2304xf32>
    %mul3A_140 = arith.mulf %convert_element_type3A_47, %mul3A_139 : vector<131x2304xf32>
    %get3A_141 = arith.constant 4 : index
    %get3A_142 = arith.constant 1 : index
    %get3A_143 = memref.load %arg1[%get3A_141, %get3A_142] : memref<10x2xf32, #tpu.memory_space<smem>>
    %mul3A_144 = vector.broadcast %get3A_143 : f32 to vector<131x2304xf32>
    %mul3A_145 = arith.mulf %convert_element_type3A_49, %mul3A_144 : vector<131x2304xf32>
    %add3A_146 = arith.addf %mul3A_140, %mul3A_145 : vector<131x2304xf32>
    %gt3A_147 = arith.cmpf ogt, %add3A_146, %select_n3A_132 : vector<131x2304xf32>
    %select_n3A_148 = arith.select %gt3A_147, %add3A_146, %select_n3A_132 : vector<131x2304xi1>, vector<131x2304xf32>
    %jit3A_149 = arith.constant 4 : i32
    %broadcast_in_dim3A_150 = vector.broadcast %jit3A_149 : i32 to vector<131x2304xi32>
    %select_n3A_151 = arith.select %gt3A_147, %broadcast_in_dim3A_150, %select_n3A_135 : vector<131x2304xi1>, vector<131x2304xi32>
    %get3A_152 = arith.constant 5 : index
    %get3A_153 = arith.constant 0 : index
    %get3A_154 = memref.load %arg1[%get3A_152, %get3A_153] : memref<10x2xf32, #tpu.memory_space<smem>>
    %mul3A_155 = vector.broadcast %get3A_154 : f32 to vector<131x2304xf32>
    %mul3A_156 = arith.mulf %convert_element_type3A_47, %mul3A_155 : vector<131x2304xf32>
    %get3A_157 = arith.constant 5 : index
    %get3A_158 = arith.constant 1 : index
    %get3A_159 = memref.load %arg1[%get3A_157, %get3A_158] : memref<10x2xf32, #tpu.memory_space<smem>>
    %mul3A_160 = vector.broadcast %get3A_159 : f32 to vector<131x2304xf32>
    %mul3A_161 = arith.mulf %convert_element_type3A_49, %mul3A_160 : vector<131x2304xf32>
    %add3A_162 = arith.addf %mul3A_156, %mul3A_161 : vector<131x2304xf32>
    %gt3A_163 = arith.cmpf ogt, %add3A_162, %select_n3A_148 : vector<131x2304xf32>
    %select_n3A_164 = arith.select %gt3A_163, %add3A_162, %select_n3A_148 : vector<131x2304xi1>, vector<131x2304xf32>
    %jit3A_165 = arith.constant 5 : i32
    %broadcast_in_dim3A_166 = vector.broadcast %jit3A_165 : i32 to vector<131x2304xi32>
    %select_n3A_167 = arith.select %gt3A_163, %broadcast_in_dim3A_166, %select_n3A_151 : vector<131x2304xi1>, vector<131x2304xi32>
    %get3A_168 = arith.constant 6 : index
    %get3A_169 = arith.constant 0 : index
    %get3A_170 = memref.load %arg1[%get3A_168, %get3A_169] : memref<10x2xf32, #tpu.memory_space<smem>>
    %mul3A_171 = vector.broadcast %get3A_170 : f32 to vector<131x2304xf32>
    %mul3A_172 = arith.mulf %convert_element_type3A_47, %mul3A_171 : vector<131x2304xf32>
    %get3A_173 = arith.constant 6 : index
    %get3A_174 = arith.constant 1 : index
    %get3A_175 = memref.load %arg1[%get3A_173, %get3A_174] : memref<10x2xf32, #tpu.memory_space<smem>>
    %mul3A_176 = vector.broadcast %get3A_175 : f32 to vector<131x2304xf32>
    %mul3A_177 = arith.mulf %convert_element_type3A_49, %mul3A_176 : vector<131x2304xf32>
    %add3A_178 = arith.addf %mul3A_172, %mul3A_177 : vector<131x2304xf32>
    %gt3A_179 = arith.cmpf ogt, %add3A_178, %select_n3A_164 : vector<131x2304xf32>
    %select_n3A_180 = arith.select %gt3A_179, %add3A_178, %select_n3A_164 : vector<131x2304xi1>, vector<131x2304xf32>
    %jit3A_181 = arith.constant 6 : i32
    %broadcast_in_dim3A_182 = vector.broadcast %jit3A_181 : i32 to vector<131x2304xi32>
    %select_n3A_183 = arith.select %gt3A_179, %broadcast_in_dim3A_182, %select_n3A_167 : vector<131x2304xi1>, vector<131x2304xi32>
    %get3A_184 = arith.constant 7 : index
    %get3A_185 = arith.constant 0 : index
    %get3A_186 = memref.load %arg1[%get3A_184, %get3A_185] : memref<10x2xf32, #tpu.memory_space<smem>>
    %mul3A_187 = vector.broadcast %get3A_186 : f32 to vector<131x2304xf32>
    %mul3A_188 = arith.mulf %convert_element_type3A_47, %mul3A_187 : vector<131x2304xf32>
    %get3A_189 = arith.constant 7 : index
    %get3A_190 = arith.constant 1 : index
    %get3A_191 = memref.load %arg1[%get3A_189, %get3A_190] : memref<10x2xf32, #tpu.memory_space<smem>>
    %mul3A_192 = vector.broadcast %get3A_191 : f32 to vector<131x2304xf32>
    %mul3A_193 = arith.mulf %convert_element_type3A_49, %mul3A_192 : vector<131x2304xf32>
    %add3A_194 = arith.addf %mul3A_188, %mul3A_193 : vector<131x2304xf32>
    %gt3A_195 = arith.cmpf ogt, %add3A_194, %select_n3A_180 : vector<131x2304xf32>
    %jit3A_196 = arith.constant 7 : i32
    %broadcast_in_dim3A_197 = vector.broadcast %jit3A_196 : i32 to vector<131x2304xi32>
    %select_n3A_198 = arith.select %gt3A_195, %broadcast_in_dim3A_197, %select_n3A_183 : vector<131x2304xi1>, vector<131x2304xi32>
    %eq3A = arith.constant 0 : i32
    %eq3A_199 = vector.broadcast %eq3A : i32 to vector<131x2304xi32>
    %eq3A_200 = arith.cmpi eq, %select_n3A_198, %eq3A_199 : vector<131x2304xi32>
    %jit3A_201 = arith.constant 0.000000e+00 : f32
    %broadcast_in_dim3A_202 = vector.broadcast %jit3A_201 : f32 to vector<131x2304xf32>
    %select_n3A_203 = arith.select %eq3A_200, %sqrt3A, %broadcast_in_dim3A_202 : vector<131x2304xi1>, vector<131x2304xf32>
    %slice3A_204 = vector.extract_strided_slice %select_n3A_203 {offsets = [0, 0], sizes = [128, 2304], strides = [1, 1]} : vector<131x2304xf32> to vector<128x2304xf32>
    %slice3A_205 = vector.extract_strided_slice %select_n3A_203 {offsets = [1, 0], sizes = [128, 2304], strides = [1, 1]} : vector<131x2304xf32> to vector<128x2304xf32>
    %add3A_206 = arith.addf %slice3A_204, %slice3A_205 : vector<128x2304xf32>
    %slice3A_207 = vector.extract_strided_slice %select_n3A_203 {offsets = [2, 0], sizes = [128, 2304], strides = [1, 1]} : vector<131x2304xf32> to vector<128x2304xf32>
    %add3A_208 = arith.addf %add3A_206, %slice3A_207 : vector<128x2304xf32>
    %slice3A_209 = vector.extract_strided_slice %select_n3A_203 {offsets = [3, 0], sizes = [128, 2304], strides = [1, 1]} : vector<131x2304xf32> to vector<128x2304xf32>
    %add3A_210 = arith.addf %add3A_208, %slice3A_209 : vector<128x2304xf32>
    %slice3A_211 = vector.extract_strided_slice %add3A_210 {offsets = [0, 0], sizes = [128, 2176], strides = [1, 1]} : vector<128x2304xf32> to vector<128x2176xf32>
    %slice3A_212 = vector.extract_strided_slice %add3A_210 {offsets = [0, 1], sizes = [128, 2176], strides = [1, 1]} : vector<128x2304xf32> to vector<128x2176xf32>
    %add3A_213 = arith.addf %slice3A_211, %slice3A_212 : vector<128x2176xf32>
    %slice3A_214 = vector.extract_strided_slice %add3A_210 {offsets = [0, 2], sizes = [128, 2176], strides = [1, 1]} : vector<128x2304xf32> to vector<128x2176xf32>
    %add3A_215 = arith.addf %add3A_213, %slice3A_214 : vector<128x2176xf32>
    %slice3A_216 = vector.extract_strided_slice %add3A_210 {offsets = [0, 3], sizes = [128, 2176], strides = [1, 1]} : vector<128x2304xf32> to vector<128x2176xf32>
    %add3A_217 = arith.addf %add3A_215, %slice3A_216 : vector<128x2176xf32>
    %swap3A = arith.constant 0 : index
    %swap3A_218 = arith.constant 0 : index
    %swap3A_219 = arith.constant 0 : index
    %swap3A_220 = vector.load %arg5[%swap3A, %swap3A_218, %swap3A_219] : memref<8x128x2176xf32, #tpu.memory_space<vmem>>, vector<1x128x2176xf32>
    %swap3A_221 = vector.shape_cast %swap3A_220 : vector<1x128x2176xf32> to vector<128x2176xf32>
    %swap3A_222 = vector.shape_cast %add3A_217 : vector<128x2176xf32> to vector<1x128x2176xf32>
    tpu.vector_store %arg5[%swap3A, %swap3A_218, %swap3A_219], %swap3A_222 {strides = array<i32>} : memref<8x128x2176xf32, #tpu.memory_space<vmem>>, vector<1x128x2176xf32>,
    %eq3A_223 = arith.constant 1 : i32
    %eq3A_224 = vector.broadcast %eq3A_223 : i32 to vector<131x2304xi32>
    %eq3A_225 = arith.cmpi eq, %select_n3A_198, %eq3A_224 : vector<131x2304xi32>
    %jit3A_226 = arith.constant 0.000000e+00 : f32
    %broadcast_in_dim3A_227 = vector.broadcast %jit3A_226 : f32 to vector<131x2304xf32>
    %select_n3A_228 = arith.select %eq3A_225, %sqrt3A, %broadcast_in_dim3A_227 : vector<131x2304xi1>, vector<131x2304xf32>
    %slice3A_229 = vector.extract_strided_slice %select_n3A_228 {offsets = [0, 0], sizes = [128, 2304], strides = [1, 1]} : vector<131x2304xf32> to vector<128x2304xf32>
    %slice3A_230 = vector.extract_strided_slice %select_n3A_228 {offsets = [1, 0], sizes = [128, 2304], strides = [1, 1]} : vector<131x2304xf32> to vector<128x2304xf32>
    %add3A_231 = arith.addf %slice3A_229, %slice3A_230 : vector<128x2304xf32>
    %slice3A_232 = vector.extract_strided_slice %select_n3A_228 {offsets = [2, 0], sizes = [128, 2304], strides = [1, 1]} : vector<131x2304xf32> to vector<128x2304xf32>
    %add3A_233 = arith.addf %add3A_231, %slice3A_232 : vector<128x2304xf32>
    %slice3A_234 = vector.extract_strided_slice %select_n3A_228 {offsets = [3, 0], sizes = [128, 2304], strides = [1, 1]} : vector<131x2304xf32> to vector<128x2304xf32>
    %add3A_235 = arith.addf %add3A_233, %slice3A_234 : vector<128x2304xf32>
    %slice3A_236 = vector.extract_strided_slice %add3A_235 {offsets = [0, 0], sizes = [128, 2176], strides = [1, 1]} : vector<128x2304xf32> to vector<128x2176xf32>
    %slice3A_237 = vector.extract_strided_slice %add3A_235 {offsets = [0, 1], sizes = [128, 2176], strides = [1, 1]} : vector<128x2304xf32> to vector<128x2176xf32>
    %add3A_238 = arith.addf %slice3A_236, %slice3A_237 : vector<128x2176xf32>
    %slice3A_239 = vector.extract_strided_slice %add3A_235 {offsets = [0, 2], sizes = [128, 2176], strides = [1, 1]} : vector<128x2304xf32> to vector<128x2176xf32>
    %add3A_240 = arith.addf %add3A_238, %slice3A_239 : vector<128x2176xf32>
    %slice3A_241 = vector.extract_strided_slice %add3A_235 {offsets = [0, 3], sizes = [128, 2176], strides = [1, 1]} : vector<128x2304xf32> to vector<128x2176xf32>
    %add3A_242 = arith.addf %add3A_240, %slice3A_241 : vector<128x2176xf32>
    %swap3A_243 = arith.constant 1 : index
    %swap3A_244 = arith.constant 0 : index
    %swap3A_245 = arith.constant 0 : index
    %swap3A_246 = vector.load %arg5[%swap3A_243, %swap3A_244, %swap3A_245] : memref<8x128x2176xf32, #tpu.memory_space<vmem>>, vector<1x128x2176xf32>
    %swap3A_247 = vector.shape_cast %swap3A_246 : vector<1x128x2176xf32> to vector<128x2176xf32>
    %swap3A_248 = vector.shape_cast %add3A_242 : vector<128x2176xf32> to vector<1x128x2176xf32>
    tpu.vector_store %arg5[%swap3A_243, %swap3A_244, %swap3A_245], %swap3A_248 {strides = array<i32>} : memref<8x128x2176xf32, #tpu.memory_space<vmem>>, vector<1x128x2176xf32>,
    %eq3A_249 = arith.constant 2 : i32
    %eq3A_250 = vector.broadcast %eq3A_249 : i32 to vector<131x2304xi32>
    %eq3A_251 = arith.cmpi eq, %select_n3A_198, %eq3A_250 : vector<131x2304xi32>
    %jit3A_252 = arith.constant 0.000000e+00 : f32
    %broadcast_in_dim3A_253 = vector.broadcast %jit3A_252 : f32 to vector<131x2304xf32>
    %select_n3A_254 = arith.select %eq3A_251, %sqrt3A, %broadcast_in_dim3A_253 : vector<131x2304xi1>, vector<131x2304xf32>
    %slice3A_255 = vector.extract_strided_slice %select_n3A_254 {offsets = [0, 0], sizes = [128, 2304], strides = [1, 1]} : vector<131x2304xf32> to vector<128x2304xf32>
    %slice3A_256 = vector.extract_strided_slice %select_n3A_254 {offsets = [1, 0], sizes = [128, 2304], strides = [1, 1]} : vector<131x2304xf32> to vector<128x2304xf32>
    %add3A_257 = arith.addf %slice3A_255, %slice3A_256 : vector<128x2304xf32>
    %slice3A_258 = vector.extract_strided_slice %select_n3A_254 {offsets = [2, 0], sizes = [128, 2304], strides = [1, 1]} : vector<131x2304xf32> to vector<128x2304xf32>
    %add3A_259 = arith.addf %add3A_257, %slice3A_258 : vector<128x2304xf32>
    %slice3A_260 = vector.extract_strided_slice %select_n3A_254 {offsets = [3, 0], sizes = [128, 2304], strides = [1, 1]} : vector<131x2304xf32> to vector<128x2304xf32>
    %add3A_261 = arith.addf %add3A_259, %slice3A_260 : vector<128x2304xf32>
    %slice3A_262 = vector.extract_strided_slice %add3A_261 {offsets = [0, 0], sizes = [128, 2176], strides = [1, 1]} : vector<128x2304xf32> to vector<128x2176xf32>
    %slice3A_263 = vector.extract_strided_slice %add3A_261 {offsets = [0, 1], sizes = [128, 2176], strides = [1, 1]} : vector<128x2304xf32> to vector<128x2176xf32>
    %add3A_264 = arith.addf %slice3A_262, %slice3A_263 : vector<128x2176xf32>
    %slice3A_265 = vector.extract_strided_slice %add3A_261 {offsets = [0, 2], sizes = [128, 2176], strides = [1, 1]} : vector<128x2304xf32> to vector<128x2176xf32>
    %add3A_266 = arith.addf %add3A_264, %slice3A_265 : vector<128x2176xf32>
    %slice3A_267 = vector.extract_strided_slice %add3A_261 {offsets = [0, 3], sizes = [128, 2176], strides = [1, 1]} : vector<128x2304xf32> to vector<128x2176xf32>
    %add3A_268 = arith.addf %add3A_266, %slice3A_267 : vector<128x2176xf32>
    %swap3A_269 = arith.constant 2 : index
    %swap3A_270 = arith.constant 0 : index
    %swap3A_271 = arith.constant 0 : index
    %swap3A_272 = vector.load %arg5[%swap3A_269, %swap3A_270, %swap3A_271] : memref<8x128x2176xf32, #tpu.memory_space<vmem>>, vector<1x128x2176xf32>
    %swap3A_273 = vector.shape_cast %swap3A_272 : vector<1x128x2176xf32> to vector<128x2176xf32>
    %swap3A_274 = vector.shape_cast %add3A_268 : vector<128x2176xf32> to vector<1x128x2176xf32>
    tpu.vector_store %arg5[%swap3A_269, %swap3A_270, %swap3A_271], %swap3A_274 {strides = array<i32>} : memref<8x128x2176xf32, #tpu.memory_space<vmem>>, vector<1x128x2176xf32>,
    %eq3A_275 = arith.constant 3 : i32
    %eq3A_276 = vector.broadcast %eq3A_275 : i32 to vector<131x2304xi32>
    %eq3A_277 = arith.cmpi eq, %select_n3A_198, %eq3A_276 : vector<131x2304xi32>
    %jit3A_278 = arith.constant 0.000000e+00 : f32
    %broadcast_in_dim3A_279 = vector.broadcast %jit3A_278 : f32 to vector<131x2304xf32>
    %select_n3A_280 = arith.select %eq3A_277, %sqrt3A, %broadcast_in_dim3A_279 : vector<131x2304xi1>, vector<131x2304xf32>
    %slice3A_281 = vector.extract_strided_slice %select_n3A_280 {offsets = [0, 0], sizes = [128, 2304], strides = [1, 1]} : vector<131x2304xf32> to vector<128x2304xf32>
    %slice3A_282 = vector.extract_strided_slice %select_n3A_280 {offsets = [1, 0], sizes = [128, 2304], strides = [1, 1]} : vector<131x2304xf32> to vector<128x2304xf32>
    %add3A_283 = arith.addf %slice3A_281, %slice3A_282 : vector<128x2304xf32>
    %slice3A_284 = vector.extract_strided_slice %select_n3A_280 {offsets = [2, 0], sizes = [128, 2304], strides = [1, 1]} : vector<131x2304xf32> to vector<128x2304xf32>
    %add3A_285 = arith.addf %add3A_283, %slice3A_284 : vector<128x2304xf32>
    %slice3A_286 = vector.extract_strided_slice %select_n3A_280 {offsets = [3, 0], sizes = [128, 2304], strides = [1, 1]} : vector<131x2304xf32> to vector<128x2304xf32>
    %add3A_287 = arith.addf %add3A_285, %slice3A_286 : vector<128x2304xf32>
    %slice3A_288 = vector.extract_strided_slice %add3A_287 {offsets = [0, 0], sizes = [128, 2176], strides = [1, 1]} : vector<128x2304xf32> to vector<128x2176xf32>
    %slice3A_289 = vector.extract_strided_slice %add3A_287 {offsets = [0, 1], sizes = [128, 2176], strides = [1, 1]} : vector<128x2304xf32> to vector<128x2176xf32>
    %add3A_290 = arith.addf %slice3A_288, %slice3A_289 : vector<128x2176xf32>
    %slice3A_291 = vector.extract_strided_slice %add3A_287 {offsets = [0, 2], sizes = [128, 2176], strides = [1, 1]} : vector<128x2304xf32> to vector<128x2176xf32>
    %add3A_292 = arith.addf %add3A_290, %slice3A_291 : vector<128x2176xf32>
    %slice3A_293 = vector.extract_strided_slice %add3A_287 {offsets = [0, 3], sizes = [128, 2176], strides = [1, 1]} : vector<128x2304xf32> to vector<128x2176xf32>
    %add3A_294 = arith.addf %add3A_292, %slice3A_293 : vector<128x2176xf32>
    %swap3A_295 = arith.constant 3 : index
    %swap3A_296 = arith.constant 0 : index
    %swap3A_297 = arith.constant 0 : index
    %swap3A_298 = vector.load %arg5[%swap3A_295, %swap3A_296, %swap3A_297] : memref<8x128x2176xf32, #tpu.memory_space<vmem>>, vector<1x128x2176xf32>
    %swap3A_299 = vector.shape_cast %swap3A_298 : vector<1x128x2176xf32> to vector<128x2176xf32>
    %swap3A_300 = vector.shape_cast %add3A_294 : vector<128x2176xf32> to vector<1x128x2176xf32>
    tpu.vector_store %arg5[%swap3A_295, %swap3A_296, %swap3A_297], %swap3A_300 {strides = array<i32>} : memref<8x128x2176xf32, #tpu.memory_space<vmem>>, vector<1x128x2176xf32>,
    %eq3A_301 = arith.constant 4 : i32
    %eq3A_302 = vector.broadcast %eq3A_301 : i32 to vector<131x2304xi32>
    %eq3A_303 = arith.cmpi eq, %select_n3A_198, %eq3A_302 : vector<131x2304xi32>
    %jit3A_304 = arith.constant 0.000000e+00 : f32
    %broadcast_in_dim3A_305 = vector.broadcast %jit3A_304 : f32 to vector<131x2304xf32>
    %select_n3A_306 = arith.select %eq3A_303, %sqrt3A, %broadcast_in_dim3A_305 : vector<131x2304xi1>, vector<131x2304xf32>
    %slice3A_307 = vector.extract_strided_slice %select_n3A_306 {offsets = [0, 0], sizes = [128, 2304], strides = [1, 1]} : vector<131x2304xf32> to vector<128x2304xf32>
    %slice3A_308 = vector.extract_strided_slice %select_n3A_306 {offsets = [1, 0], sizes = [128, 2304], strides = [1, 1]} : vector<131x2304xf32> to vector<128x2304xf32>
    %add3A_309 = arith.addf %slice3A_307, %slice3A_308 : vector<128x2304xf32>
    %slice3A_310 = vector.extract_strided_slice %select_n3A_306 {offsets = [2, 0], sizes = [128, 2304], strides = [1, 1]} : vector<131x2304xf32> to vector<128x2304xf32>
    %add3A_311 = arith.addf %add3A_309, %slice3A_310 : vector<128x2304xf32>
    %slice3A_312 = vector.extract_strided_slice %select_n3A_306 {offsets = [3, 0], sizes = [128, 2304], strides = [1, 1]} : vector<131x2304xf32> to vector<128x2304xf32>
    %add3A_313 = arith.addf %add3A_311, %slice3A_312 : vector<128x2304xf32>
    %slice3A_314 = vector.extract_strided_slice %add3A_313 {offsets = [0, 0], sizes = [128, 2176], strides = [1, 1]} : vector<128x2304xf32> to vector<128x2176xf32>
    %slice3A_315 = vector.extract_strided_slice %add3A_313 {offsets = [0, 1], sizes = [128, 2176], strides = [1, 1]} : vector<128x2304xf32> to vector<128x2176xf32>
    %add3A_316 = arith.addf %slice3A_314, %slice3A_315 : vector<128x2176xf32>
    %slice3A_317 = vector.extract_strided_slice %add3A_313 {offsets = [0, 2], sizes = [128, 2176], strides = [1, 1]} : vector<128x2304xf32> to vector<128x2176xf32>
    %add3A_318 = arith.addf %add3A_316, %slice3A_317 : vector<128x2176xf32>
    %slice3A_319 = vector.extract_strided_slice %add3A_313 {offsets = [0, 3], sizes = [128, 2176], strides = [1, 1]} : vector<128x2304xf32> to vector<128x2176xf32>
    %add3A_320 = arith.addf %add3A_318, %slice3A_319 : vector<128x2176xf32>
    %swap3A_321 = arith.constant 4 : index
    %swap3A_322 = arith.constant 0 : index
    %swap3A_323 = arith.constant 0 : index
    %swap3A_324 = vector.load %arg5[%swap3A_321, %swap3A_322, %swap3A_323] : memref<8x128x2176xf32, #tpu.memory_space<vmem>>, vector<1x128x2176xf32>
    %swap3A_325 = vector.shape_cast %swap3A_324 : vector<1x128x2176xf32> to vector<128x2176xf32>
    %swap3A_326 = vector.shape_cast %add3A_320 : vector<128x2176xf32> to vector<1x128x2176xf32>
    tpu.vector_store %arg5[%swap3A_321, %swap3A_322, %swap3A_323], %swap3A_326 {strides = array<i32>} : memref<8x128x2176xf32, #tpu.memory_space<vmem>>, vector<1x128x2176xf32>,
    %eq3A_327 = arith.constant 5 : i32
    %eq3A_328 = vector.broadcast %eq3A_327 : i32 to vector<131x2304xi32>
    %eq3A_329 = arith.cmpi eq, %select_n3A_198, %eq3A_328 : vector<131x2304xi32>
    %jit3A_330 = arith.constant 0.000000e+00 : f32
    %broadcast_in_dim3A_331 = vector.broadcast %jit3A_330 : f32 to vector<131x2304xf32>
    %select_n3A_332 = arith.select %eq3A_329, %sqrt3A, %broadcast_in_dim3A_331 : vector<131x2304xi1>, vector<131x2304xf32>
    %slice3A_333 = vector.extract_strided_slice %select_n3A_332 {offsets = [0, 0], sizes = [128, 2304], strides = [1, 1]} : vector<131x2304xf32> to vector<128x2304xf32>
    %slice3A_334 = vector.extract_strided_slice %select_n3A_332 {offsets = [1, 0], sizes = [128, 2304], strides = [1, 1]} : vector<131x2304xf32> to vector<128x2304xf32>
    %add3A_335 = arith.addf %slice3A_333, %slice3A_334 : vector<128x2304xf32>
    %slice3A_336 = vector.extract_strided_slice %select_n3A_332 {offsets = [2, 0], sizes = [128, 2304], strides = [1, 1]} : vector<131x2304xf32> to vector<128x2304xf32>
    %add3A_337 = arith.addf %add3A_335, %slice3A_336 : vector<128x2304xf32>
    %slice3A_338 = vector.extract_strided_slice %select_n3A_332 {offsets = [3, 0], sizes = [128, 2304], strides = [1, 1]} : vector<131x2304xf32> to vector<128x2304xf32>
    %add3A_339 = arith.addf %add3A_337, %slice3A_338 : vector<128x2304xf32>
    %slice3A_340 = vector.extract_strided_slice %add3A_339 {offsets = [0, 0], sizes = [128, 2176], strides = [1, 1]} : vector<128x2304xf32> to vector<128x2176xf32>
    %slice3A_341 = vector.extract_strided_slice %add3A_339 {offsets = [0, 1], sizes = [128, 2176], strides = [1, 1]} : vector<128x2304xf32> to vector<128x2176xf32>
    %add3A_342 = arith.addf %slice3A_340, %slice3A_341 : vector<128x2176xf32>
    %slice3A_343 = vector.extract_strided_slice %add3A_339 {offsets = [0, 2], sizes = [128, 2176], strides = [1, 1]} : vector<128x2304xf32> to vector<128x2176xf32>
    %add3A_344 = arith.addf %add3A_342, %slice3A_343 : vector<128x2176xf32>
    %slice3A_345 = vector.extract_strided_slice %add3A_339 {offsets = [0, 3], sizes = [128, 2176], strides = [1, 1]} : vector<128x2304xf32> to vector<128x2176xf32>
    %add3A_346 = arith.addf %add3A_344, %slice3A_345 : vector<128x2176xf32>
    %swap3A_347 = arith.constant 5 : index
    %swap3A_348 = arith.constant 0 : index
    %swap3A_349 = arith.constant 0 : index
    %swap3A_350 = vector.load %arg5[%swap3A_347, %swap3A_348, %swap3A_349] : memref<8x128x2176xf32, #tpu.memory_space<vmem>>, vector<1x128x2176xf32>
    %swap3A_351 = vector.shape_cast %swap3A_350 : vector<1x128x2176xf32> to vector<128x2176xf32>
    %swap3A_352 = vector.shape_cast %add3A_346 : vector<128x2176xf32> to vector<1x128x2176xf32>
    tpu.vector_store %arg5[%swap3A_347, %swap3A_348, %swap3A_349], %swap3A_352 {strides = array<i32>} : memref<8x128x2176xf32, #tpu.memory_space<vmem>>, vector<1x128x2176xf32>,
    %eq3A_353 = arith.constant 6 : i32
    %eq3A_354 = vector.broadcast %eq3A_353 : i32 to vector<131x2304xi32>
    %eq3A_355 = arith.cmpi eq, %select_n3A_198, %eq3A_354 : vector<131x2304xi32>
    %jit3A_356 = arith.constant 0.000000e+00 : f32
    %broadcast_in_dim3A_357 = vector.broadcast %jit3A_356 : f32 to vector<131x2304xf32>
    %select_n3A_358 = arith.select %eq3A_355, %sqrt3A, %broadcast_in_dim3A_357 : vector<131x2304xi1>, vector<131x2304xf32>
    %slice3A_359 = vector.extract_strided_slice %select_n3A_358 {offsets = [0, 0], sizes = [128, 2304], strides = [1, 1]} : vector<131x2304xf32> to vector<128x2304xf32>
    %slice3A_360 = vector.extract_strided_slice %select_n3A_358 {offsets = [1, 0], sizes = [128, 2304], strides = [1, 1]} : vector<131x2304xf32> to vector<128x2304xf32>
    %add3A_361 = arith.addf %slice3A_359, %slice3A_360 : vector<128x2304xf32>
    %slice3A_362 = vector.extract_strided_slice %select_n3A_358 {offsets = [2, 0], sizes = [128, 2304], strides = [1, 1]} : vector<131x2304xf32> to vector<128x2304xf32>
    %add3A_363 = arith.addf %add3A_361, %slice3A_362 : vector<128x2304xf32>
    %slice3A_364 = vector.extract_strided_slice %select_n3A_358 {offsets = [3, 0], sizes = [128, 2304], strides = [1, 1]} : vector<131x2304xf32> to vector<128x2304xf32>
    %add3A_365 = arith.addf %add3A_363, %slice3A_364 : vector<128x2304xf32>
    %slice3A_366 = vector.extract_strided_slice %add3A_365 {offsets = [0, 0], sizes = [128, 2176], strides = [1, 1]} : vector<128x2304xf32> to vector<128x2176xf32>
    %slice3A_367 = vector.extract_strided_slice %add3A_365 {offsets = [0, 1], sizes = [128, 2176], strides = [1, 1]} : vector<128x2304xf32> to vector<128x2176xf32>
    %add3A_368 = arith.addf %slice3A_366, %slice3A_367 : vector<128x2176xf32>
    %slice3A_369 = vector.extract_strided_slice %add3A_365 {offsets = [0, 2], sizes = [128, 2176], strides = [1, 1]} : vector<128x2304xf32> to vector<128x2176xf32>
    %add3A_370 = arith.addf %add3A_368, %slice3A_369 : vector<128x2176xf32>
    %slice3A_371 = vector.extract_strided_slice %add3A_365 {offsets = [0, 3], sizes = [128, 2176], strides = [1, 1]} : vector<128x2304xf32> to vector<128x2176xf32>
    %add3A_372 = arith.addf %add3A_370, %slice3A_371 : vector<128x2176xf32>
    %swap3A_373 = arith.constant 6 : index
    %swap3A_374 = arith.constant 0 : index
    %swap3A_375 = arith.constant 0 : index
    %swap3A_376 = vector.load %arg5[%swap3A_373, %swap3A_374, %swap3A_375] : memref<8x128x2176xf32, #tpu.memory_space<vmem>>, vector<1x128x2176xf32>
    %swap3A_377 = vector.shape_cast %swap3A_376 : vector<1x128x2176xf32> to vector<128x2176xf32>
    %swap3A_378 = vector.shape_cast %add3A_372 : vector<128x2176xf32> to vector<1x128x2176xf32>
    tpu.vector_store %arg5[%swap3A_373, %swap3A_374, %swap3A_375], %swap3A_378 {strides = array<i32>} : memref<8x128x2176xf32, #tpu.memory_space<vmem>>, vector<1x128x2176xf32>,
    %eq3A_379 = arith.constant 7 : i32
    %eq3A_380 = vector.broadcast %eq3A_379 : i32 to vector<131x2304xi32>
    %eq3A_381 = arith.cmpi eq, %select_n3A_198, %eq3A_380 : vector<131x2304xi32>
    %jit3A_382 = arith.constant 0.000000e+00 : f32
    %broadcast_in_dim3A_383 = vector.broadcast %jit3A_382 : f32 to vector<131x2304xf32>
    %select_n3A_384 = arith.select %eq3A_381, %sqrt3A, %broadcast_in_dim3A_383 : vector<131x2304xi1>, vector<131x2304xf32>
    %slice3A_385 = vector.extract_strided_slice %select_n3A_384 {offsets = [0, 0], sizes = [128, 2304], strides = [1, 1]} : vector<131x2304xf32> to vector<128x2304xf32>
    %slice3A_386 = vector.extract_strided_slice %select_n3A_384 {offsets = [1, 0], sizes = [128, 2304], strides = [1, 1]} : vector<131x2304xf32> to vector<128x2304xf32>
    %add3A_387 = arith.addf %slice3A_385, %slice3A_386 : vector<128x2304xf32>
    %slice3A_388 = vector.extract_strided_slice %select_n3A_384 {offsets = [2, 0], sizes = [128, 2304], strides = [1, 1]} : vector<131x2304xf32> to vector<128x2304xf32>
    %add3A_389 = arith.addf %add3A_387, %slice3A_388 : vector<128x2304xf32>
    %slice3A_390 = vector.extract_strided_slice %select_n3A_384 {offsets = [3, 0], sizes = [128, 2304], strides = [1, 1]} : vector<131x2304xf32> to vector<128x2304xf32>
    %add3A_391 = arith.addf %add3A_389, %slice3A_390 : vector<128x2304xf32>
    %slice3A_392 = vector.extract_strided_slice %add3A_391 {offsets = [0, 0], sizes = [128, 2176], strides = [1, 1]} : vector<128x2304xf32> to vector<128x2176xf32>
    %slice3A_393 = vector.extract_strided_slice %add3A_391 {offsets = [0, 1], sizes = [128, 2176], strides = [1, 1]} : vector<128x2304xf32> to vector<128x2176xf32>
    %add3A_394 = arith.addf %slice3A_392, %slice3A_393 : vector<128x2176xf32>
    %slice3A_395 = vector.extract_strided_slice %add3A_391 {offsets = [0, 2], sizes = [128, 2176], strides = [1, 1]} : vector<128x2304xf32> to vector<128x2176xf32>
    %add3A_396 = arith.addf %add3A_394, %slice3A_395 : vector<128x2176xf32>
    %slice3A_397 = vector.extract_strided_slice %add3A_391 {offsets = [0, 3], sizes = [128, 2176], strides = [1, 1]} : vector<128x2304xf32> to vector<128x2176xf32>
    %add3A_398 = arith.addf %add3A_396, %slice3A_397 : vector<128x2176xf32>
    %swap3A_399 = arith.constant 7 : index
    %swap3A_400 = arith.constant 0 : index
    %swap3A_401 = arith.constant 0 : index
    %swap3A_402 = vector.load %arg5[%swap3A_399, %swap3A_400, %swap3A_401] : memref<8x128x2176xf32, #tpu.memory_space<vmem>>, vector<1x128x2176xf32>
    %swap3A_403 = vector.shape_cast %swap3A_402 : vector<1x128x2176xf32> to vector<128x2176xf32>
    %swap3A_404 = vector.shape_cast %add3A_398 : vector<128x2176xf32> to vector<1x128x2176xf32>
    tpu.vector_store %arg5[%swap3A_399, %swap3A_400, %swap3A_401], %swap3A_404 {strides = array<i32>} : memref<8x128x2176xf32, #tpu.memory_space<vmem>>, vector<1x128x2176xf32>,
    return
  }
  func.func @transform_0(%arg0: i32) -> (i32, i32) {
    %c0_i32 = arith.constant 0 : i32
    %c0_i32_0 = arith.constant 0 : i32
    %c0_i32_1 = arith.constant 0 : i32
    return %c0_i32, %c0_i32_0 : i32, i32
  }
  func.func @transform_1(%arg0: i32) -> (i32, i32, i32) {
    %mul3A = arith.constant 16 : i32
    %mul3A_0 = arith.muli %arg0, %mul3A : i32
    %sub3A = arith.constant 1 : i32
    %sub3A_1 = arith.subi %mul3A_0, %sub3A : i32
    %max3A = arith.constant 0 : i32
    %max3A_2 = arith.maxsi %sub3A_1, %max3A : i32
    %c0_i32 = arith.constant 0 : i32
    %c0_i32_3 = arith.constant 0 : i32
    %c0_i32_4 = arith.constant 0 : i32
    return %c0_i32, %max3A_2, %c0_i32_3 : i32, i32, i32
  }
  func.func @transform_2(%arg0: i32) -> (i32, i32, i32) {
    %min3A = arith.constant 15 : i32
    %min3A_0 = arith.minsi %arg0, %min3A : i32
    %c0_i32 = arith.constant 0 : i32
    %c0_i32_1 = arith.constant 0 : i32
    %c0_i32_2 = arith.constant 0 : i32
    return %c0_i32, %min3A_0, %c0_i32_1 : i32, i32, i32
  }
  func.func @transform_3(%arg0: i32) -> (i32, i32, i32) {
    %add3A = arith.constant 1 : i32
    %add3A_0 = arith.addi %arg0, %add3A : i32
    %mul3A = arith.constant 16 : i32
    %mul3A_1 = arith.muli %add3A_0, %mul3A : i32
    %min3A = arith.constant 255 : i32
    %min3A_2 = arith.minsi %mul3A_1, %min3A : i32
    %c0_i32 = arith.constant 0 : i32
    %c0_i32_3 = arith.constant 0 : i32
    %c0_i32_4 = arith.constant 0 : i32
    return %c0_i32, %min3A_2, %c0_i32_3 : i32, i32, i32
  }
  func.func @transform_4(%arg0: i32) -> (i32, i32, i32) {
    %c0_i32 = arith.constant 0 : i32
    %c0_i32_0 = arith.constant 0 : i32
    %c0_i32_1 = arith.constant 0 : i32
    return %c0_i32, %arg0, %c0_i32_0 : i32, i32, i32
  }
}

</mosaic_0001>

<sc_bundles>
// kernel: sparse-core-data-format-call.cloned.1.call-start
scs
called_computation_lowered:
.L_overlay_start_0:
0x0: {  	s2 =	sld [smem:$0x3FD9]  }
0x1: {  	s3 =	sld [smem:$0x3FFE];
	_ =	sdelay $0x1  }
0x2: {  	s1 =	srdreg.scid  }
0x3: {  	s0 =	sand.u32 $0x1, s1  }
0x4: {  	s18 =	sshll.u32 s0, $0xA;
	s2 =	sadd.s32 s3, s2  }
0x5: {  	s2 =	sadd.s32 s2, s18  }
0x6: {  	[smem:$0x3FC6] =	sst s2  }
0x7: {  	_ = 	snop  }
0x8: {  	s2 =	sld [smem:$0x3FD0];
	(tm) =	ssettm $0x1  }
0x9: {  	s19 =	sld [smem:$0x3FFB];
	_ =	sdelay $0x3  }
0xa: {  	_ =	strace s19  }
0xb: {  	s3 =	sld [smem:$0x3FFC];
	_ =	sdelay $0x3  }
0xc: {  	_ =	strace s3  }
0xd: {  	s3 =	sld [smem:$0x3FFD];
	_ =	sdelay $0x3  }
0xe: {  	_ =	strace s3  }
0xf: {  	_ =	strace $0x8FFFFFFF  }
0x10: {  	s20 =	sld [smem:$0x3FDB];
	_ =	sdelay $0x1  }
0x11: {  	s4 =	simm.s32 $_scs_section_size  }
0x12: {  	s5 =	simm.s32 $_size__tile_overlayer_lowered;
	s6 =	simm.s32 $_tile_overlayer_lowered  }
0x13: {  	s23 =	simm.s32 $0x1BFF;
	s22 =	sshll.u32 s6, $0x1;
	s3 =	sadd.s32 s4, s20  }
0x14: {  	s7 =	simm.s32 $0x0;
	s21 =	sshll.u32 s5, $0x1;
	s5 =	sadd.s32 s22, s3  }
0x15: {  	[timem:s7], [sflag:s23] =	dma.local [hbm:s5], s21  }
0x16: {  	_ =	swait.ge [sflag:s23], s21  }
0x17: {  	s4 =	ssub.s32 $0x0, s21;
	[sflag:s23] =	ssyncset.done $0x0  }
0x18: {  	[sflag:s23] =	ssyncadd.s32 s4;
	_ =	sdelay $0x1  }
0x19: {  	s24 =	simm.s32 $0x1B8B  }
0x1a: {  	_ =	swait.ge [sflag:s24], $0x1  }
0x1b: {  	[sflag:s24] =	ssyncset.done $0x0  }
0x1c: {  	s26 =	simm.s32 $0x1B8E;
	s25 =	sld [smem:$0x3FFE];
	[sflag:s24] =	ssyncadd.s32 $0xFFFFFFFF  }
0x1d: {  	s27 =	simm.s32 $execute0_lowered;
	[smem:$0x3FD2] =	sst s26  }
0x1e: {  	s5 =	sshll.u32 s27, $0x1;
	_ =	strace $0x80000046;
	[dreg:$0x1] =	wrdreg $0xFFFFFFFF  }
0x1f: {  	s28 =	simm.s32 $_size_execute0_lowered;
	s3 =	sadd.s32 s3, s5;
	[dreg:$0x0] =	wrdreg $0x0  }
0x20: {  	s5 =	sshll.u32 s28, $0x1;
	[dreg:$0x2] =	wrdreg s3  }
0x21: {  	[dreg:$0x3] =	wrdreg s5  }
0x22: {  	[dreg:$0x4] =	wrdreg $0xC0  }
0x23: {  	_ =	task [dreg:s7], $0x5FFFF  }
0x24: {  	[dreg:$0x1] =	wrdreg $0xFFFFFFFF  }
0x25: {  	[dreg:$0x0] =	wrdreg $0x60  }
0x26: {  	[dreg:$0x2] =	wrdreg s25  }
0x27: {  	[dreg:$0x3] =	wrdreg s2  }
0x28: {  	[dreg:$0x4] =	wrdreg $0x9  }
0x29: {  	_ =	task.clear_ibuf [dreg:s7], $0x5FFFF;
	_ =	strace $0x90000046  }
0x2a: {  	s29 =	simm.s32 $0x9;
	_ =	strace $0x80000048  }
0x2b: {  	_ =	swait.ge [sflag:s29], $0x1  }
0x2c: {  	[sflag:s29] =	ssyncadd.s32 $0xFFFFFFFF  }
0x2d: {  	_ =	strace $0x90000048  }
0x2e: {  	_ =	sfence  }
0x2f: {  	s30 =	sld [smem:$0x0];
	_ =	sdelay $0x2  }
0x30: {  	s31 =	sshll.u32 s1, $0xD;
	s1 =	sshrl.u32 s1, $0x2  }
0x31: {  	s3 =	sand.u32 $0x4000, s31;
	s1 =	sadd.s32 s1, s30  }
0x32: {  	s0 =	sor.u32 s3, s0;
	s1 =	sshll.u32 s1, $0x11  }
0x33: {  	s0 =	sor.u32 s1, s0  }
0x34: {  	s0 =	sadd.s32 $0x8F2B, s0  }
0x35: {  	[sflag:s0] =	ssyncadd.remote.s32 $0x1  }
0x36: {  	_ =	sfence.sel $0xFFFF  }
0x37: {  	[dreg:$0x0] =	wrdreg $0xFFFFFFFF;
	(pc) =	sbr.abs _section_cstart, $3  }
0x38: {  	[dreg:$0x1] =	wrdreg $0xFFFFFFFF  }
0x39: {  	_ =	task.clear_ibuf [dreg:s7], $0x2FFFF;
	_ =	strace $0x9FFFFFFF  }
0x3a: {  	(tm) =	ssettm $0x7FFFFFFF  }
0x3b: {  	_ =	shalt  }
tec
execute0_lowered:
.L_overlay_start_1:
0x0: {  	(tag) =	ssettag $0x1  }
0x1: {  	s3 =	stileid.u32;
	s0 =	srdreg.scid  }
0x2: {  	s2 =	rddreg [dreg:$0x0];
	_ =	strace $0x80000047;
	s29 =	simm.s32 $0x1  }
0x3: {  	s30 =	simm.s32 $0x2;
	s1 =	sshll.u32 s3, $0x4;
	s0 =	sshll.u32 s0, $0x8  }
0x4: {  	s17 =	simm.s32 $0x0;
	s19 =	simm.s32 $0x0;
	s0 =	sor.u32 s1, s0  }
0x5: {  	s18 =	simm.s32 $0x0;
	s10 =	simm.s32 $0x0;
	s14 =	sand.u32 $0x180, s0  }
0x6: {  	s11 =	simm.s32 $0x0;
	s13 =	simm.s32 $0x0;
	s0 =	ssub.s32 $0x800, s14  }
.Ltmp0:
0x7: {  	s28 =	sadd.s32 $0x400, s2;
	s0 =	sshrl.u32 s0, $0x9;
	(pc) =	sbr.rel .LBB1_1-.Ltmp0, $4  }
0x8: {  	s15 =	sand.u32 $0x7, s3;
	[dreg:$0x4] =	wrdreg s28;
	s0 =	smul.u32 $0x11, s0  }
0x9: {  	s12 =	simm.s32 $0x0;
	s16 =	simm.s32 $0x0;
	[dreg:$0x5] =	wrdreg s15  }
0xa: {  	[sflag:s29] =	ssyncpa.u1 $0x0;
	[dreg:$0x3] =	wrdreg s14;
	s31 =	sadd.s32 $0x11, s0  }
0xb: {  	[sflag:s30] =	ssyncpa.u1 $0x0;
	s8 =	sadd.s32 $0x12, s0;
	[dreg:$0x6] =	wrdreg s31  }
.LBB1_14:
0xc: {  	s0 =	sshrl.u32 s13, $0x3  }
0xd: {  	s1 =	sshll.u32 s10, $0x3;
	s0 =	smul.u32 $0x4400, s0  }
0xe: {  	s2 =	sshll.u32 s13, $0x7;
	s1 =	sand.u32 $0xFFFFFC00, s1  }
0xf: {  	p0 =	sgt.s32 s11, $0x781;
	s25 =	sand.u32 $0x380, s2;
	s0 =	sadd.s32 s0, s1  }
0x10: {  	s3 =	sand.u32 $0x7F, s10;
	s2 =	smov.u32 s11;
	s0 =	sor.u32 s25, s0  }
0x11: {  	s26 =	smul.u32 $0x880, s11;
	s2 =	simm.s32 @!p0 $0x781;
	s1 =	sor.u32 s3, s0  }
0x12: {  	s2 =	sadd.s32 s22, s2;
	s3 =	smulhi.u32 $0xF0F0F0F1, s1  }
0x13: {  	s4 =	sadd.s32 $0xFFFFF87F, s2;
	s0 =	smulhi.u32 $0xF0F0F0F1, s0  }
0x14: {  	s2 =	ssub.s32 $0x801, s2;
	p0 =	sgt.s32 s4, $0x7F;
	s3 =	sshrl.u32 s3, $0xB  }
0x15: {  	s2 =	simm.s32 @p0 $0x0;
	s0 =	sshrl.u32 s0, $0xB;
	s3 =	smul.u32 $0x880, s3  }
0x16: {  	s27 =	rddreg [dreg:$0x1];
	s2 =	smul.u32 s20, s2;
	s0 =	sand.u32 $0x7, s0  }
0x17: {  	s31 =	simm.s32 $0x4400;
	s0 =	smul.u32 $0x110, s0;
	s1 =	ssub.s32 s1, s3  }
0x18: {  	s2 =	smul.u32 s21, s2;
	s3 =	sadd.s32 s27, s26;
	s28 =	sand.u32 $0x7, s1  }
0x19: {  	s1 =	sshrl.u32 s1, $0x3;
	s0 =	sadd.s32 s0, s3;
	s29 =	sshll.u32 s28, $0x12  }
0x1a: {  	s2 =	sand.u32 $0x3FFFFFFF, s2;
	s0 =	sadd.s32 s1, s0;
	s30 =	sor.u32 $0x80, s29  }
0x1b: {  	[hbm4b:s0+s30] =	stream.strided.scatter [tilespmem:s23], [sflag:$0x2], s2, s31, s30, $0x38;
	[tilespmem:$0x10000] =	vst v63  }
.LBB1_15:
0x1c: {  	p0 =	slt.u32 s16, $0x2  }
0x1d: {  	s0 =	smov.u32 s19;
	p1 =	sgt.s32 @!p0 s19, $0x781  }
0x1e: {  	s2 =	smov.u32 s18;
	s1 =	sshra.s32 @!p0 s19, $0x1F;
	p1 =	por !p1, p0  }
0x1f: {  	s1 =	sand.u32 @!p0 s1, s19;
	s0 =	simm.s32 @p1 $0x781;
	p1 =	sgt.s32 @!p0 s18, $0x7  }
0x20: {  	s3 =	sshra.s32 @!p0 s18, $0x1F;
	p1 =	por !p1, p0;
	s0 =	ssub.s32 @!p0 s0, s1  }
0x21: {  	s1 =	sand.u32 @!p0 s3, s18;
	s2 =	simm.s32 @p1 $0x7;
	s3 =	sadd.s32 @!p0 $0xFFFFF87F, s0  }
0x22: {  	p1 =	sgt.s32 @!p0 s17, $0x800;
	s1 =	ssub.s32 @!p0 s2, s1;
	p2 =	sgt.s32 @!p0 s3, $0x7F  }
0x23: {  	p1 =	por !p1, p0;
	s3 =	smov.u32 s17;
	s2 =	sadd.s32 @!p0 $0xFFFFFFF9, s1  }
0x24: {  	s3 =	simm.s32 @p1 $0x800;
	p1 =	sgt.s32 @!p0 s2, $0x0;
	s2 =	sshra.s32 @!p0 s17, $0x1F  }
0x25: {  	s0 =	ssub.s32 @!p0 $0x801, s0;
	p2 =	por !p2, p0;
	s2 =	sand.u32 @!p0 s2, s17  }
0x26: {  	s1 =	ssub.s32 @!p0 $0x8, s1;
	p1 =	por !p1, p0;
	s2 =	ssub.s32 @!p0 s3, s2  }
0x27: {  	s0 =	simm.s32 @!p2 $0x0;
	s1 =	simm.s32 @!p1 $0x0;
	s3 =	sadd.s32 @!p0 $0xFFFFF800, s2  }
0x28: {  	s4 =	smov.u32 s14;
	s0 =	smul.u32 @!p0 s1, s0;
	p1 =	sgt.s32 @!p0 s3, $0x7F  }
0x29: {  	s1 =	ssub.s32 @!p0 $0x880, s2;
	s2 =	sadd.s32 $0x80, s12;
	p1 =	por !p1, p0  }
0x2a: {  	s3 =	sadd.s32 $0x200, s14;
	s1 =	simm.s32 @!p1 $0x0;
	p1 =	sgt.s32 s2, $0x800  }
0x2b: {  	s0 =	smul.u32 @!p0 s1, s0;
	s4 =	smov.u32 @p1 s3  }
0x2c: {  	s1 =	sadd.s32 $0x8, s15;
	s3 =	smov.u32 s15;
	p2 =	sgt.s32 s4, $0x800  }
0x2d: {  	s0 =	sand.u32 @!p0 $0x3FFFFFFF, s0;
	s3 =	smov.u32 @p2 s1;
	s1 =	simm.s32 @!p0 $0x2  }
0x2e: {  	_ =	swait.ge @!p0 [sflag:s1], s0  }
0x2f: {  	s2 =	simm.s32 @p1 $0x0;
	s5 =	rddreg [dreg:$0x3]  }
0x30: {  	p1 =	sgt.s32 s3, $0x7;
	s4 =	smov.u32 @p2 s5;
	s5 =	rddreg [dreg:$0x5]  }
0x31: {  	s3 =	smov.u32 @p1 s5;
	p1 =	sne.s32 s16, s8  }
.Ltmp1:
0x32: {  	s19 =	smov.u32 s11;
	(pc) =	sbr.rel @!p1 .LBB1_16-.Ltmp1, $4  }
0x33: {  	s11 =	smov.u32 s14;
	s18 =	smov.u32 s13;
	s13 =	smov.u32 s15  }
0x34: {  	s17 =	smov.u32 s10;
	s0 =	ssub.s32 @!p0 $0x0, s0;
	[sflag:s1] =	ssyncset.done @!p0 $0x0  }
0x35: {  	s10 =	smov.u32 s12;
	s12 =	smov.u32 s2;
	[sflag:s1] =	ssyncadd.s32 @!p0 s0  }
0x36: {  	s16 =	sadd.s32 $0x1, s16;
	s14 =	smov.u32 s4;
	s15 =	smov.u32 s3  }
.LBB1_1:
0x37: {  	s0 =	rddreg [dreg:$0x6]  }
0x38: {  	p0 =	sge.u32 s16, s0  }
0x39: {  	s6 =	smov.u32 s12;
	s0 =	sshrl.u32 @!p0 s14, $0x3  }
0x3a: {  	s1 =	sshll.u32 @!p0 s12, $0x3;
	p1 =	sgt.s32 @!p0 s15, $0x7;
	s0 =	smul.u32 @!p0 $0x4400, s0  }
0x3b: {  	s2 =	sshra.s32 @!p0 s15, $0x1F;
	s4 =	sshll.u32 @!p0 s14, $0x7;
	s1 =	sand.u32 @!p0 $0xFFFFFC00, s1  }
0x3c: {  	p1 =	por !p1, p0;
	s0 =	sadd.s32 @!p0 s0, s1;
	s1 =	smov.u32 s15  }
0x3d: {  	s2 =	sand.u32 @!p0 s2, s15;
	s4 =	sand.u32 @!p0 $0x380, s4;
	s1 =	simm.s32 @p1 $0x7  }
0x3e: {  	p1 =	sgt.s32 @!p0 s14, $0x788;
	s0 =	sor.u32 @!p0 s4, s0;
	s1 =	ssub.s32 @!p0 s1, s2  }
0x3f: {  	s4 =	smov.u32 s14;
	p1 =	por !p1, p0;
	s2 =	sadd.s32 @!p0 $0xFFFFFFF9, s1  }
0x40: {  	s4 =	simm.s32 @p1 $0x788;
	p1 =	sgt.s32 @!p0 s2, $0x0;
	s2 =	sshra.s32 @!p0 s14, $0x1F  }
0x41: {  	s1 =	ssub.s32 @!p0 $0x8, s1;
	p1 =	por !p1, p0;
	s2 =	sand.u32 @!p0 s2, s14  }
0x42: {  	s1 =	simm.s32 @!p1 $0x0;
	s2 =	ssub.s32 @!p0 s4, s2;
	p1 =	sgt.s32 @!p0 s12, $0x800  }
0x43: {  	s4 =	smulhi.u32 @!p0 $0xF0F0F0F1, s0;
	s5 =	sadd.s32 @!p0 $0xFFFFF878, s2;
	p1 =	por !p1, p0  }
0x44: {  	s6 =	simm.s32 @p1 $0x800;
	p1 =	sgt.s32 @!p0 s5, $0x7F;
	s5 =	sshra.s32 @!p0 s12, $0x1F  }
0x45: {  	s2 =	ssub.s32 @!p0 $0x808, s2;
	p1 =	por !p1, p0;
	s5 =	sand.u32 @!p0 s5, s12  }
0x46: {  	s4 =	sshrl.u32 @!p0 s4, $0xB;
	s5 =	ssub.s32 @!p0 s6, s5;
	s2 =	simm.s32 @!p1 $0x0  }
0x47: {  	s6 =	sand.u32 @!p0 $0x7F, s12;
	s1 =	smul.u32 @!p0 s1, s2;
	s2 =	sadd.s32 @!p0 $0xFFFFF800, s5  }
0x48: {  	s0 =	sor.u32 @!p0 s6, s0;
	s6 =	smulhi.u32 @!p0 $0x1FE020, s4;
	p1 =	sgt.s32 @!p0 s2, $0x7F  }
0x49: {  	s5 =	ssub.s32 @!p0 $0x880, s5;
	s2 =	smulhi.u32 @!p0 $0xF0F0F0F1, s0;
	p1 =	por !p1, p0  }
0x4a: {  	s6 =	smul.u32 @!p0 $0x808, s6;
	s5 =	simm.s32 @!p1 $0x0  }
0x4b: {  	s2 =	sshrl.u32 @!p0 s2, $0xB;
	s1 =	smul.u32 @!p0 s5, s1  }
0x4c: {  	s3 =	rddreg [dreg:$0x4];
	s5 =	sxor.u32 @!p0 $0xFFFFFFFF, s16;
	s2 =	smul.u32 @!p0 $0x880, s2  }
0x4d: {  	s4 =	ssub.s32 @!p0 s4, s6;
	s6 =	smul.u32 @!p0 $0x88880, s15;
	s5 =	sshll.u32 @!p0 s5, $0xE  }
0x4e: {  	s5 =	sand.u32 @!p0 $0x4000, s5;
	s0 =	ssub.s32 @!p0 s0, s2;
	s2 =	smul.u32 @!p0 $0x110, s4  }
0x4f: {  	s1 =	sand.u32 @!p0 $0x3FFFFFFF, s1;
	s4 =	sadd.s32 @!p0 s3, s6;
	s6 =	sand.u32 @!p0 $0x7, s0  }
0x50: {  	s0 =	sshrl.u32 @!p0 s0, $0x3;
	s2 =	sadd.s32 @!p0 s2, s4;
	s4 =	sshll.u32 @!p0 s6, $0x12  }
0x51: {  	s0 =	sadd.s32 @!p0 s0, s2;
	s2 =	sor.u32 @!p0 $0x400, s4;
	s4 =	simm.s32 @!p0 $0x4400  }
0x52: {  	[tilespmem:s5], [sflag:$0x1] =	stream.strided.gather @!p0 [hbm4b:s0+s2], s1, s4, s2, $0x38;
	[tilespmem:$0x10000] =	vst v63  }
0x53: {  	p0 =	seq.s32 s16, $0x0  }
0x54: {  	p1 =	sge.u32 @!p0 s16, s8  }
0x55: {  	p0 =	por p0, p1  }
.Ltmp2:
0x56: {  	_ = 	snop;
	(pc) =	sbr.rel @p0 .LBB1_15-.Ltmp2, $1  }
0x57: {  	_ =	sdelay $0x3  }
0x58: {  	p0 =	sgt.s32 s13, $0x7;
	s0 =	smov.u32 s13;
	s1 =	sshra.s32 s13, $0x1F  }
0x59: {  	p1 =	sgt.s32 s10, $0x800;
	s0 =	simm.s32 @!p0 $0x7;
	s1 =	sand.u32 s1, s13  }
0x5a: {  	s26 =	sshra.s32 s10, $0x1F;
	s2 =	ssub.s32 $0x0, s11;
	s0 =	ssub.s32 s0, s1  }
0x5b: {  	s4 =	sshra.s32 s11, $0x1F;
	s5 =	smov.u32 s11;
	s1 =	sadd.s32 $0xFFFFFFF9, s0  }
0x5c: {  	s20 =	ssub.s32 $0x8, s0;
	s0 =	smov.u32 s10;
	p0 =	sgt.s32 s1, $0x0  }
0x5d: {  	s0 =	simm.s32 @!p1 $0x800;
	s1 =	sand.u32 s26, s10;
	p1 =	sgt.s32 s11, $0x788  }
0x5e: {  	s22 =	sand.u32 s2, s4;
	s0 =	ssub.s32 s0, s1;
	s5 =	simm.s32 @!p1 $0x788  }
0x5f: {  	s20 =	simm.s32 @p0 $0x0;
	s1 =	sadd.s32 $0xFFFFF800, s0;
	s2 =	sadd.s32 s22, s5  }
0x60: {  	s21 =	ssub.s32 $0x880, s0;
	p1 =	sgt.s32 s1, $0x7F;
	s27 =	sadd.s32 $0xFFFFF878, s2  }
0x61: {  	s0 =	ssub.s32 $0x808, s2;
	s2 =	sadd.s32 $0x1, s13;
	p0 =	sgt.s32 s27, $0x7F  }
0x62: {  	s1 =	sadd.s32 $0x80, s11;
	s0 =	simm.s32 @p0 $0x0;
	p0 =	slt.s32 s2, $0x8  }
0x63: {  	s2 =	simm.s32 @!p0 $0x8;
	p0 =	slt.s32 s1, $0x801  }
0x64: {  	s21 =	simm.s32 @p1 $0x0;
	s24 =	ssub.s32 s2, s13;
	s1 =	simm.s32 @!p0 $0x801  }
0x65: {  	s28 =	smul.u32 s20, s21;
	s25 =	ssub.s32 s1, s11;
	p0 =	slt.s32 s24, $0x1  }
0x66: {  	p1 =	slt.s32 @!p0 s25, $0x1  }
0x67: {  	s0 =	smul.u32 s0, s28;
	p0 =	por p0, p1  }
.Ltmp3:
0x68: {  	_ = 	snop;
	(pc) =	sbr.rel @p0 .LBB1_14-.Ltmp3, $4  }
0x69: {  	s30 =	simm.s32 $0x1;
	s0 =	sand.u32 $0x3FFFFFFF, s0  }
0x6a: {  	s31 =	sshll.u32 s16, $0xE;
	_ =	swait.ge [sflag:s30], s0  }
0x6b: {  	s26 =	sand.u32 $0x4000, s31;
	s29 =	ssub.s32 $0x0, s0;
	[sflag:s30] =	ssyncset.done $0x0  }
0x6c: {  	s23 =	sor.u32 $0x8000, s26;
	[sflag:s30] =	ssyncadd.s32 s29  }
0x6d: {  	s0 =	sadd.s32 $0x80, s10  }
0x6e: {  	p0 =	slt.s32 s0, $0x801  }
.Ltmp4:
0x6f: {  	s0 =	simm.s32 @!p0 $0x801;
	(pc) =	sbr.rel .LBB1_4-.Ltmp4, $4  }
0x70: {  	s0 =	ssub.s32 s0, s10  }
0x71: {  	s30 =	simm.s32 $0x0;
	s0 =	sadd.s32 $0xF, s0  }
0x72: {  	s1 =	sshll.u32 s0, $0x3;
	s27 =	sand.u32 $0xFFFFFFF0, s0;
	s28 =	sand.u32 $0xFFFFFF00, s0  }
0x73: {  	p0 =	slt.s32 s0, $0x100;
	s29 =	sand.u32 $0xFFFFF800, s1;
	p1 =	sge.s32 s28, s27  }
.LBB1_13:
0x74: {  	s30 =	sadd.s32 $0x1, s30  }
0x75: {  	p2 =	sne.s32 s30, s24  }
.Ltmp5:
0x76: {  	_ = 	snop;
	(pc) =	sbr.rel @!p2 .LBB1_14-.Ltmp5, $1  }
0x77: {  	_ =	sdelay $0x3  }
.LBB1_4:
.Ltmp6:
0x78: {  	(pc) =	sbr.rel .LBB1_5-.Ltmp6, $4  }
0x79: {  	_ = 	snop  }
0x7a: {  	s0 =	sshll.u32 s30, $0x10;
	s1 =	sshll.u32 s30, $0x7  }
0x7b: {  	s2 =	simm.s32 $0x0;
	s0 =	sshra.s32 s0, $0x2;
	s9 =	sand.u32 $0x380, s1  }
0x7c: {  	s31 =	sadd.s32 s0, s26;
	s1 =	sadd.s32 s9, s23;
	s0 =	simm.s32 $0x400  }
.LBB1_12:
0x7d: {  	s2 =	sadd.s32 $0x1, s2  }
0x7e: {  	p2 =	sne.s32 s2, s25  }
.Ltmp7:
0x7f: {  	_ = 	snop;
	(pc) =	sbr.rel @!p2 .LBB1_13-.Ltmp7, $2  }
0x80: {  	_ =	sdelay $0x2  }
0x81: {  	s0 =	sadd.s32 $0x80, s0  }
.LBB1_5:
.Ltmp8:
0x82: {  	(pc) =	sbr.rel @p0 .LBB1_9-.Ltmp8, $2  }
0x83: {  	_ =	sdelay $0x2  }
0x84: {  	s9 =	sshll.u32 s2, $0x7  }
0x85: {  	s4 =	sand.u32 $0x380, s9  }
0x86: {  	s5 =	sadd.s32 s4, s31  }
0x87: {  	v0 =	vmov s5;
	_ =	sdelay $0x3  }
0x88: {  	s5 =	sand.u32 $0x3C00, s0  }
0x89: {  	v7 =	vld.idx.msk [tilespmem:v0+s5+$0x70 ss:$0x1], $0xffff  }
0x8a: {  	p2 =	sgt.s32 s28, $0x100;
	v6 =	vld.idx.msk [tilespmem:v0+s5+$0x0 ss:$0x1], $0xffff  }
.Ltmp9:
0x8b: {  	v1 =	vld.idx.msk [tilespmem:v0+s5+$0x10 ss:$0x1], $0xffff;
	(pc) =	sbr.rel @!p2 .LBB1_8-.Ltmp9, $4  }
0x8c: {  	v2 =	vld.idx.msk [tilespmem:v0+s5+$0x20 ss:$0x1], $0xffff  }
0x8d: {  	v3 =	vld.idx.msk [tilespmem:v0+s5+$0x30 ss:$0x1], $0xffff  }
0x8e: {  	s4 =	sadd.s32 s9, s1;
	v4 =	vld.idx.msk [tilespmem:v0+s5+$0x40 ss:$0x1], $0xffff  }
0x8f: {  	s7 =	simm.s32 $0x100;
	s6 =	sadd.s32 $0x800, s0;
	v5 =	vld.idx.msk [tilespmem:v0+s5+$0x50 ss:$0x1], $0xffff;
	[tilespmem:s4+$0x70] =	vst v7  }
.LBB1_7:
0x90: {  	s7 =	sadd.s32 $0x100, s7;
	[tilespmem:s4+$0x0] =	vst v6;
	v7 =	vld.idx.msk [tilespmem:v0+s5+$0x60 ss:$0x1], $0xffff;
	s5 =	sand.u32 $0x3C00, s6  }
0x91: {  	v8 =	vld.idx.msk [tilespmem:v0+s5+$0x70 ss:$0x1], $0xffff;
	p2 =	slt.s32 s7, s28;
	[tilespmem:s4+$0x10] =	vst v1  }
0x92: {  	v6 =	vld.idx.msk [tilespmem:v0+s5+$0x0 ss:$0x1], $0xffff;
	[tilespmem:s4+$0x20] =	vst v2  }
.Ltmp10:
0x93: {  	v1 =	vld.idx.msk [tilespmem:v0+s5+$0x10 ss:$0x1], $0xffff;
	[tilespmem:s4+$0x30] =	vst v3;
	(pc) =	sbr.rel @p2 .LBB1_7-.Ltmp10, $4  }
0x94: {  	v2 =	vld.idx.msk [tilespmem:v0+s5+$0x20 ss:$0x1], $0xffff;
	[tilespmem:s4+$0x40] =	vst v4  }
0x95: {  	v3 =	vld.idx.msk [tilespmem:v0+s5+$0x30 ss:$0x1], $0xffff;
	[tilespmem:s4+$0x50] =	vst v5  }
0x96: {  	v4 =	vld.idx.msk [tilespmem:v0+s5+$0x40 ss:$0x1], $0xffff;
	[tilespmem:s4+$0x60] =	vst v7  }
0x97: {  	s6 =	sadd.s32 $0x800, s6;
	v5 =	vld.idx.msk [tilespmem:v0+s5+$0x50 ss:$0x1], $0xffff;
	[tilespmem:s4+$0x70] =	vst v8  }
.LBB1_8:
0x98: {  	_ =	sdelay $0x2  }
0x99: {  	[tilespmem:s4+$0x0] =	vst v6  }
0x9a: {  	v0 =	vld.idx.msk [tilespmem:v0+s5+$0x60 ss:$0x1], $0xffff;
	[tilespmem:s4+$0x10] =	vst v1  }
0x9b: {  	[tilespmem:s4+$0x20] =	vst v2  }
0x9c: {  	[tilespmem:s4+$0x30] =	vst v3  }
0x9d: {  	[tilespmem:s4+$0x40] =	vst v4  }
0x9e: {  	[tilespmem:s4+$0x50] =	vst v5  }
0x9f: {  	[tilespmem:s4+$0x60] =	vst v0  }
.LBB1_9:
.Ltmp11:
0xa0: {  	(pc) =	sbr.rel @p1 .LBB1_12-.Ltmp11, $1  }
0xa1: {  	_ =	sdelay $0x3  }
0xa2: {  	s4 =	sshll.u32 s2, $0x9  }
0xa3: {  	s4 =	sshra.s32 s4, $0x2  }
0xa4: {  	s5 =	sand.u32 $0x380, s9;
	s6 =	sadd.s32 s4, s1  }
0xa5: {  	s4 =	sadd.s32 s5, s31;
	s5 =	smov.u32 s29;
	v0 =	vmov s6;
	s6 =	smov.u32 s28  }
.LBB1_11:
0xa6: {  	s7 =	sand.u32 $0x3C00, s5  }
0xa7: {  	s7 =	sadd.s32 s9, s7  }
0xa8: {  	s7 =	sand.u32 $0x3C00, s7  }
0xa9: {  	s3 =	sand.u32 $0x70, s6;
	s7 =	sadd.s32 s7, s4  }
0xaa: {  	s6 =	sadd.s32 $0x10, s6;
	s7 =	sadd.s32 s3, s7  }
0xab: {  	p2 =	slt.s32 s6, s27;
	v1 =	vld [tilespmem:s7+$0x0]  }
.Ltmp12:
0xac: {  	_ = 	snop;
	(pc) =	sbr.rel @p2 .LBB1_11-.Ltmp12, $2  }
0xad: {  	_ =	sdelay $0x2  }
0xae: {  	s5 =	sadd.s32 $0x80, s5;
	[tilespmem:v0+s3+$0x0 ss:$0x1] =	vst.idx.msk $0xffff, v1  }
.Ltmp13:
0xaf: {  	_ = 	snop;
	(pc) =	sbr.rel .LBB1_12-.Ltmp13, $1  }
0xb0: {  	_ =	sdelay $0x3  }
.LBB1_16:
0xb1: {  	_ =	sfence.sel $0x180000  }
0xb2: {  	s0 =	simm.s32 $0x1;
	[bflag:$0x0] =	sbarrier.arrive $0xFFFF  }
0xb3: {  	s30 =	simm.s32 $0x2;
	[sflag:s0] =	ssyncpa.u1 $0x1  }
0xb4: {  	[sflag:s30] =	ssyncpa.u1 $0x1  }
0xb5: {  	_ =	strace $0x90000047  }
0xb6: {  	s31 =	stileid.u32;
	[bflag:$0x2] =	sbarrier.arrive $0xFFFF  }
0xb7: {  	p0 =	sne.s32 s31, $0x0;
	s0 =	rddreg [dreg:$0x2]  }
0xb8: {  	s0 =	sadd.s32 @!p0 $0x100000, s0  }
0xb9: {  	[sflag:s0] =	ssyncadd.tile.s32 @!p0 $0x1;
	_ =	shalt  }
.Lfunc_end1:
_tile_overlayer_lowered:
.L_overlay_start_2:
0xba: {  	(tag) =	ssettag $0x2  }
0xbb: {  	s0 =	rddreg [dreg:$0x0];
	s2 =	stileid.u32  }
0xbc: {  	s1 =	rddreg [dreg:$0x1];
	p0 =	sne.s32 s2, $0x0  }
0xbd: {  	s3 =	rddreg [dreg:$0x2];
	[bflag:$0x3] =	sbarrier.arrive $0xFFFF;
	s2 =	simm.s32 @!p0 $0x1C01  }
0xbe: {  	[timem:s3], [sflag:s2] =	dma.local @!p0 [hbm:s0], s1  }
0xbf: {  	s0 =	simm.s32 @!p0 $0x1  }
0xc0: {  	_ =	swait.ge @!p0 [sflag:s0], s1  }
0xc1: {  	s1 =	ssub.s32 @!p0 $0x0, s1;
	[sflag:s0] =	ssyncset.done @!p0 $0x0  }
0xc2: {  	[sflag:s0] =	ssyncadd.s32 @!p0 s1  }
0xc3: {  	[bflag:$0x3] =	sbarrier.arrive $0xFFFF  }
0xc4: {  	_ =	shalt  }

</sc_bundles>
